<compile_context>
chip_gen: v7x
topology: tpu7x:2x2x1
jax: 0.10.2.dev20260603
libtpu: 0.0.44.dev20260713+nightly
codegen_flags: <defaults>
</compile_context>

<pallas_src>
import functools

import jax
import jax.numpy as jnp
from jax import lax
from jax.experimental import pallas as pl
from jax.experimental.pallas import tpu as pltpu
from jax.experimental.pallas import tpu_sc as plsc

N = 10000
E = 320000
D = 128
NC, NS = 2, 16
NW = NC * NS
EPW = E // NW
CHUNK = 100
NCHUNK = EPW // CHUNK
RPS = 624
RPS_LAST = N - (NS - 1) * RPS


def _sc_aggregate(x, edges_r, zeros):
    mesh = plsc.VectorSubcoreMesh(core_axis_name="c", subcore_axis_name="s")

    @functools.partial(
        pl.kernel,
        out_type=jax.ShapeDtypeStruct((NC, N, D), jnp.float32),
        mesh=mesh,
        compiler_params=pltpu.CompilerParams(use_tc_tiling_on_sc=False),
        scratch_types=[
            pltpu.VMEM((2, NCHUNK, CHUNK), jnp.int32),
            pltpu.VMEM((CHUNK, D), jnp.float32),
            pltpu.VMEM((CHUNK, D), jnp.float32),
            pltpu.VMEM_SHARED((N, D), jnp.float32),
            pltpu.SemaphoreType.DMA,
            pltpu.SemaphoreType.DMA,
        ],
    )
    def k(x_hbm, e_hbm, z_hbm, out_hbm, idx_v, rows0_v, rows1_v, agg_sh,
          sem0, sem1):
        c = lax.axis_index("c")
        s = lax.axis_index("s")
        wid = c * NS + s
        r0 = s * RPS
        pltpu.async_copy(e_hbm.at[0, wid], idx_v.at[0], sem0)
        pltpu.async_copy(e_hbm.at[1, wid], idx_v.at[1], sem1)

        @pl.when(s < NS - 1)
        def _():
            pltpu.sync_copy(z_hbm.at[pl.ds(0, RPS)], agg_sh.at[pl.ds(r0, RPS)])

        @pl.when(s == NS - 1)
        def _():
            pltpu.sync_copy(
                z_hbm.at[pl.ds(0, RPS_LAST)],
                agg_sh.at[pl.ds((NS - 1) * RPS, RPS_LAST)],
            )

        pltpu.make_async_copy(e_hbm.at[0, wid], idx_v.at[0], sem0).wait()
        pltpu.make_async_copy(e_hbm.at[1, wid], idx_v.at[1], sem1).wait()
        plsc.subcore_barrier()

        last = NCHUNK - 1

        def gather(j, buf, sem):
            pltpu.async_copy(x_hbm.at[idx_v.at[0, j]], buf, sem)

        def wait(buf, sem):
            pltpu.make_async_copy(x_hbm.at[pl.ds(0, CHUNK)], buf, sem).wait()

        gather(0, rows0_v, sem0)
        gather(1, rows1_v, sem1)

        def body(i, carry):
            j0 = 2 * i
            wait(rows0_v, sem0)
            pltpu.sync_copy(rows0_v, agg_sh.at[idx_v.at[1, j0]], add=True)
            gather(jnp.minimum(j0 + 2, last), rows0_v, sem0)
            wait(rows1_v, sem1)
            pltpu.sync_copy(rows1_v, agg_sh.at[idx_v.at[1, j0 + 1]], add=True)
            gather(jnp.minimum(j0 + 3, last), rows1_v, sem1)
            return carry

        lax.fori_loop(0, NCHUNK // 2, body, 0)
        wait(rows0_v, sem0)
        wait(rows1_v, sem1)
        plsc.subcore_barrier()

        @pl.when(s < NS - 1)
        def _():
            pltpu.sync_copy(
                agg_sh.at[pl.ds(r0, RPS)], out_hbm.at[c, pl.ds(r0, RPS)]
            )

        @pl.when(s == NS - 1)
        def _():
            pltpu.sync_copy(
                agg_sh.at[pl.ds((NS - 1) * RPS, RPS_LAST)],
                out_hbm.at[c, pl.ds((NS - 1) * RPS, RPS_LAST)],
            )

    return k(x, edges_r, zeros)


TC_BLK = 2000
TC_G = N // TC_BLK


def _tc_finish(x, parts, w2d, W1, b1, W2, b2):
    def body(x_ref, p_ref, w_ref, w1_ref, b1_ref, w2_ref, b2_ref, out_ref,
             acc_ref):
        g = pl.program_id(0)
        h = x_ref[...] + p_ref[0] + p_ref[1]
        t = jnp.dot(h, w1_ref[...].T, preferred_element_type=jnp.float32)
        t = jnp.maximum(t + b1_ref[...], 0.0)
        wv = w_ref[...]
        v = jnp.sum(t * wv, axis=0, keepdims=True)
        sw = jnp.sum(wv)

        @pl.when(g == 0)
        def _():
            acc_ref[...] = jnp.zeros_like(acc_ref)

        acc_ref[0:1, :] += v
        acc_ref[1:2, :] += sw

        @pl.when(g == TC_G - 1)
        def _():
            vv = acc_ref[0:1, :]
            out = jnp.dot(vv, w2_ref[...].T, preferred_element_type=jnp.float32)
            out_ref[...] = out + acc_ref[1, 0] * b2_ref[...]

    return pl.pallas_call(
        body,
        grid=(TC_G,),
        in_specs=[
            pl.BlockSpec((TC_BLK, D), lambda g: (g, 0)),
            pl.BlockSpec((NC, TC_BLK, D), lambda g: (0, g, 0)),
            pl.BlockSpec((TC_BLK, 1), lambda g: (g, 0)),
            pl.BlockSpec((D, D), lambda g: (0, 0)),
            pl.BlockSpec((D,), lambda g: (0,)),
            pl.BlockSpec((D, D), lambda g: (0, 0)),
            pl.BlockSpec((D,), lambda g: (0,)),
        ],
        out_specs=pl.BlockSpec((1, D), lambda g: (0, 0)),
        out_shape=jax.ShapeDtypeStruct((1, D), jnp.float32),
        scratch_shapes=[pltpu.VMEM((2, D), jnp.float32)],
    )(x, parts, w2d, W1, b1, W2, b2)


def kernel(x, edge_index, weights, W1, b1, W2, b2):
    edges_r = edge_index.reshape(2, NW, NCHUNK, CHUNK)
    zeros = jnp.zeros((RPS_LAST, D), jnp.float32)
    parts = _sc_aggregate(x, edges_r, zeros)
    out = _tc_finish(x, parts, weights.reshape(N, 1), W1, b1, W2, b2)
    return out.reshape(1, 1, D)

# --- scband reference (transcript-rebuilt; emitter-appended) ---
"""Pipeline reference for scband-gin-60559038874094 (READ-ONLY COPY).

The authoritative reference and input builder live on the scoring server;
editing this copy changes nothing except your own understanding.
"""

import jax, jax.numpy as jnp
import numpy as np

N_NODES = 10000
N_EDGES = 320000
D_IN = 128
D_HID = 128


def setup_inputs(seed: int = 0) -> dict:
    key = jax.random.key(seed)
    ks = jax.random.split(key, 6)
    x = jax.random.normal(ks[0], (N_NODES, D_IN), dtype=jnp.float32)
    edge_index = jax.random.randint(ks[1], (2, N_EDGES), 0, N_NODES, dtype=jnp.int32)
    weights = jax.random.normal(ks[2], (N_NODES,), dtype=jnp.float32)
    # GINConv MLP params: Linear(D_IN, D_HID) -> ReLU -> Linear(D_HID, D_HID)
    W1 = jax.random.normal(ks[3], (D_HID, D_IN), dtype=jnp.float32) * 0.05
    b1 = jnp.zeros((D_HID,), dtype=jnp.float32)
    W2 = jax.random.normal(ks[4], (D_HID, D_HID), dtype=jnp.float32) * 0.05
    b2 = jnp.zeros((D_HID,), dtype=jnp.float32)
    return {"x": x, "edge_index": edge_index, "weights": weights,
            "W1": W1, "b1": b1, "W2": W2, "b2": b2}


def reference(x, edge_index, weights, W1, b1, W2, b2):
    # GINConv (eps=0, sum aggregation): out_i = MLP((1+eps)*x_i + sum_{j->i} x_j)
    src = edge_index[0]
    dst = edge_index[1]
    msgs = jnp.take(x, src, axis=0)                      # gather  [E, D]
    agg = jax.ops.segment_sum(msgs, dst, num_segments=N_NODES)  # scatter-add [N, D]
    h = x + agg                                           # (1 + 0) * x + agg
    h = jax.nn.relu(h @ W1.T + b1)
    h = h @ W2.T + b2
    # forward tail of GIN.forward
    h = h * weights[:, None]
    s = jnp.sum(h, axis=0)
    return s[None, None, :]

if __name__ == "__main__":
    import jax
    _d = setup_inputs()
    print(jax.jit(kernel)(*tuple(_d.values())))

</pallas_src>

<mosaic_0001>
#map = affine_map<(d0, d1) -> (0, 0)>
#map1 = affine_map<(d0, d1) -> (0, 0, 0, 0)>
#map2 = affine_map<(d0, d1) -> (0, 0, 0)>
module attributes {stable_mosaic.version = 14 : i64} {
  func.func @k(%arg0: i32, %arg1: i32, %arg2: memref<10000x128xf32, #tpu.memory_space<hbm>>, %arg3: memref<2x32x100x100xi32, #tpu.memory_space<hbm>>, %arg4: memref<640x128xf32, #tpu.memory_space<hbm>>, %arg5: memref<2x10000x128xf32, #tpu.memory_space<hbm>>, %arg6: memref<2x100x100xi32, #tpu.memory_space<vmem>>, %arg7: memref<100x128xf32, #tpu.memory_space<vmem>>, %arg8: memref<100x128xf32, #tpu.memory_space<vmem>>, %arg9: memref<10000x128xf32, #tpu.memory_space<vmem_shared>>, %arg10: memref<!tpu.dma_semaphore, #tpu.memory_space<semaphore_mem>>, %arg11: memref<!tpu.dma_semaphore, #tpu.memory_space<semaphore_mem>>) attributes {dimension_semantics = [#tpu.dimension_semantics<core_parallel>, #tpu.dimension_semantics<subcore_parallel>], iteration_bounds = array<i64: 2, 16>, scalar_prefetch = 0 : i64, scratch_operands = 6 : i64, tpu.core_type = #tpu.core_type<sc_vector_subcore>, window_params = [{transform_indices = #map}, {transform_indices = #map1}, {transform_indices = #map}, {transform_indices = #map2}]} {
    %mul3A = arith.constant 16 : i32
    %mul3A_0 = arith.muli %arg0, %mul3A : i32
    %add3A = arith.addi %mul3A_0, %arg1 : i32
    %mul3A_1 = arith.constant 624 : i32
    %mul3A_2 = arith.muli %arg1, %mul3A_1 : i32
    %dma_start3A = arith.constant 0 : i32
    %dma_start3A_3 = arith.constant 0 : i32
    %dma_start3A_4 = arith.constant 0 : i32
    %dma_start3A_5 = arith.constant 0 : i32
    %dma_start3A_6 = tpu.memref_slice %arg6[%dma_start3A_3, %dma_start3A_4, %dma_start3A_5] : memref<2x100x100xi32, #tpu.memory_space<vmem>> -> memref<1x100x100xi32, #tpu.memory_space<vmem>>
    %dma_start3A_7 = tpu.memref_squeeze %dma_start3A_6 : memref<1x100x100xi32, #tpu.memory_space<vmem>> -> memref<100x100xi32, #tpu.memory_space<vmem>>
    %dma_start3A_8 = arith.constant 0 : i32
    %dma_start3A_9 = arith.constant 0 : i32
    %dma_start3A_10 = tpu.memref_slice %arg3[%dma_start3A, %add3A, %dma_start3A_8, %dma_start3A_9] : memref<2x32x100x100xi32, #tpu.memory_space<hbm>> -> memref<1x1x100x100xi32, #tpu.memory_space<hbm>>
    %dma_start3A_11 = tpu.memref_squeeze %dma_start3A_10 : memref<1x1x100x100xi32, #tpu.memory_space<hbm>> -> memref<100x100xi32, #tpu.memory_space<hbm>>
    %dma_start3A_12 = arith.constant 0 : i32
    %dma_start3A_13 = arith.constant 0 : i32
    %dma_start3A_14 = tpu.memref_slice %arg6[%dma_start3A_3, %dma_start3A_12, %dma_start3A_13] : memref<2x100x100xi32, #tpu.memory_space<vmem>> -> memref<1x100x100xi32, #tpu.memory_space<vmem>>
    %dma_start3A_15 = tpu.memref_squeeze %dma_start3A_14 : memref<1x100x100xi32, #tpu.memory_space<vmem>> -> memref<100x100xi32, #tpu.memory_space<vmem>>
    %dma_start3A_16 = arith.constant 0 : i32
    %dma_start3A_17 = arith.constant 0 : i32
    %dma_start3A_18 = tpu.memref_slice %arg3[%dma_start3A, %add3A, %dma_start3A_16, %dma_start3A_17] : memref<2x32x100x100xi32, #tpu.memory_space<hbm>> -> memref<1x1x100x100xi32, #tpu.memory_space<hbm>>
    %dma_start3A_19 = tpu.memref_squeeze %dma_start3A_18 : memref<1x1x100x100xi32, #tpu.memory_space<hbm>> -> memref<100x100xi32, #tpu.memory_space<hbm>>
    tpu.enqueue_dma source(%dma_start3A_19 : memref<100x100xi32, #tpu.memory_space<hbm>>) target(%dma_start3A_15 : memref<100x100xi32, #tpu.memory_space<vmem>>) target_semaphore(%arg10 : memref<!tpu.dma_semaphore, #tpu.memory_space<semaphore_mem>>)
    %dma_start3A_20 = arith.constant 1 : i32
    %dma_start3A_21 = arith.constant 1 : i32
    %dma_start3A_22 = arith.constant 0 : i32
    %dma_start3A_23 = arith.constant 0 : i32
    %dma_start3A_24 = tpu.memref_slice %arg6[%dma_start3A_21, %dma_start3A_22, %dma_start3A_23] : memref<2x100x100xi32, #tpu.memory_space<vmem>> -> memref<1x100x100xi32, #tpu.memory_space<vmem>>
    %dma_start3A_25 = tpu.memref_squeeze %dma_start3A_24 : memref<1x100x100xi32, #tpu.memory_space<vmem>> -> memref<100x100xi32, #tpu.memory_space<vmem>>
    %dma_start3A_26 = arith.constant 0 : i32
    %dma_start3A_27 = arith.constant 0 : i32
    %dma_start3A_28 = tpu.memref_slice %arg3[%dma_start3A_20, %add3A, %dma_start3A_26, %dma_start3A_27] : memref<2x32x100x100xi32, #tpu.memory_space<hbm>> -> memref<1x1x100x100xi32, #tpu.memory_space<hbm>>
    %dma_start3A_29 = tpu.memref_squeeze %dma_start3A_28 : memref<1x1x100x100xi32, #tpu.memory_space<hbm>> -> memref<100x100xi32, #tpu.memory_space<hbm>>
    %dma_start3A_30 = arith.constant 0 : i32
    %dma_start3A_31 = arith.constant 0 : i32
    %dma_start3A_32 = tpu.memref_slice %arg6[%dma_start3A_21, %dma_start3A_30, %dma_start3A_31] : memref<2x100x100xi32, #tpu.memory_space<vmem>> -> memref<1x100x100xi32, #tpu.memory_space<vmem>>
    %dma_start3A_33 = tpu.memref_squeeze %dma_start3A_32 : memref<1x100x100xi32, #tpu.memory_space<vmem>> -> memref<100x100xi32, #tpu.memory_space<vmem>>
    %dma_start3A_34 = arith.constant 0 : i32
    %dma_start3A_35 = arith.constant 0 : i32
    %dma_start3A_36 = tpu.memref_slice %arg3[%dma_start3A_20, %add3A, %dma_start3A_34, %dma_start3A_35] : memref<2x32x100x100xi32, #tpu.memory_space<hbm>> -> memref<1x1x100x100xi32, #tpu.memory_space<hbm>>
    %dma_start3A_37 = tpu.memref_squeeze %dma_start3A_36 : memref<1x1x100x100xi32, #tpu.memory_space<hbm>> -> memref<100x100xi32, #tpu.memory_space<hbm>>
    tpu.enqueue_dma source(%dma_start3A_37 : memref<100x100xi32, #tpu.memory_space<hbm>>) target(%dma_start3A_33 : memref<100x100xi32, #tpu.memory_space<vmem>>) target_semaphore(%arg11 : memref<!tpu.dma_semaphore, #tpu.memory_space<semaphore_mem>>)
    %lt3A = arith.constant 15 : i32
    %lt3A_38 = arith.cmpi slt, %arg1, %lt3A : i32
    %convert_element_type3A = arith.extui %lt3A_38 : i1 to i32
    %cond3A = arith.constant 0 : i32
    %cond3A_39 = arith.cmpi ne, %convert_element_type3A, %cond3A : i32
    scf.if %cond3A_39 {
      "tpu.region"() ({
        %run_scoped3A = tpu.sem_alloc : memref<!tpu.dma_semaphore, #tpu.memory_space<semaphore_mem>>
        %dma_start3A_123 = arith.constant 0 : i32
        %dma_start3A_124 = tpu.memref_slice %arg9[%mul3A_2, %dma_start3A_123] : memref<10000x128xf32, #tpu.memory_space<vmem_shared>> -> memref<624x128xf32, #tpu.memory_space<vmem_shared>>
        %dma_start3A_125 = arith.constant 0 : i32
        %dma_start3A_126 = arith.constant 0 : i32
        %dma_start3A_127 = tpu.memref_slice %arg4[%dma_start3A_125, %dma_start3A_126] : memref<640x128xf32, #tpu.memory_space<hbm>> -> memref<624x128xf32, #tpu.memory_space<hbm>>
        tpu.enqueue_dma source(%dma_start3A_127 : memref<624x128xf32, #tpu.memory_space<hbm>>) target(%dma_start3A_124 : memref<624x128xf32, #tpu.memory_space<vmem_shared>>) target_semaphore(%run_scoped3A : memref<!tpu.dma_semaphore, #tpu.memory_space<semaphore_mem>>)
        %dma_wait3A_128 = arith.constant 0 : i32
        %dma_wait3A_129 = tpu.memref_slice %arg9[%mul3A_2, %dma_wait3A_128] : memref<10000x128xf32, #tpu.memory_space<vmem_shared>> -> memref<624x128xf32, #tpu.memory_space<vmem_shared>>
        %dma_wait3A_130 = arith.constant 0 : i32
        %dma_wait3A_131 = arith.constant 0 : i32
        %dma_wait3A_132 = tpu.memref_slice %arg4[%dma_wait3A_130, %dma_wait3A_131] : memref<640x128xf32, #tpu.memory_space<hbm>> -> memref<624x128xf32, #tpu.memory_space<hbm>>
        tpu.wait_dma2 semaphore(%run_scoped3A : memref<!tpu.dma_semaphore, #tpu.memory_space<semaphore_mem>>) src(%dma_wait3A_132 : memref<624x128xf32, #tpu.memory_space<hbm>>) dst(%dma_wait3A_129 : memref<624x128xf32, #tpu.memory_space<vmem_shared>>)
        tpu.yield
      }) : () -> ()
    } else {
    }
    %eq3A = arith.constant 15 : i32
    %eq3A_40 = arith.cmpi eq, %arg1, %eq3A : i32
    %convert_element_type3A_41 = arith.extui %eq3A_40 : i1 to i32
    %cond3A_42 = arith.constant 0 : i32
    %cond3A_43 = arith.cmpi ne, %convert_element_type3A_41, %cond3A_42 : i32
    scf.if %cond3A_43 {
      "tpu.region"() ({
        %run_scoped3A = tpu.sem_alloc : memref<!tpu.dma_semaphore, #tpu.memory_space<semaphore_mem>>
        %dma_start3A_123 = arith.constant 9360 : i32
        %dma_start3A_124 = arith.constant 0 : i32
        %dma_start3A_125 = tpu.memref_slice %arg9[%dma_start3A_123, %dma_start3A_124] : memref<10000x128xf32, #tpu.memory_space<vmem_shared>> -> memref<640x128xf32, #tpu.memory_space<vmem_shared>>
        %dma_start3A_126 = arith.constant 0 : i32
        %dma_start3A_127 = arith.constant 0 : i32
        %dma_start3A_128 = tpu.memref_slice %arg4[%dma_start3A_126, %dma_start3A_127] : memref<640x128xf32, #tpu.memory_space<hbm>> -> memref<640x128xf32, #tpu.memory_space<hbm>>
        tpu.enqueue_dma source(%dma_start3A_128 : memref<640x128xf32, #tpu.memory_space<hbm>>) target(%dma_start3A_125 : memref<640x128xf32, #tpu.memory_space<vmem_shared>>) target_semaphore(%run_scoped3A : memref<!tpu.dma_semaphore, #tpu.memory_space<semaphore_mem>>)
        %dma_wait3A_129 = arith.constant 9360 : i32
        %dma_wait3A_130 = arith.constant 0 : i32
        %dma_wait3A_131 = tpu.memref_slice %arg9[%dma_wait3A_129, %dma_wait3A_130] : memref<10000x128xf32, #tpu.memory_space<vmem_shared>> -> memref<640x128xf32, #tpu.memory_space<vmem_shared>>
        %dma_wait3A_132 = arith.constant 0 : i32
        %dma_wait3A_133 = arith.constant 0 : i32
        %dma_wait3A_134 = tpu.memref_slice %arg4[%dma_wait3A_132, %dma_wait3A_133] : memref<640x128xf32, #tpu.memory_space<hbm>> -> memref<640x128xf32, #tpu.memory_space<hbm>>
        tpu.wait_dma2 semaphore(%run_scoped3A : memref<!tpu.dma_semaphore, #tpu.memory_space<semaphore_mem>>) src(%dma_wait3A_134 : memref<640x128xf32, #tpu.memory_space<hbm>>) dst(%dma_wait3A_131 : memref<640x128xf32, #tpu.memory_space<vmem_shared>>)
        tpu.yield
      }) : () -> ()
    } else {
    }
    %dma_wait3A = arith.constant 0 : i32
    %dma_wait3A_44 = arith.constant 0 : i32
    %dma_wait3A_45 = arith.constant 0 : i32
    %dma_wait3A_46 = arith.constant 0 : i32
    %dma_wait3A_47 = tpu.memref_slice %arg6[%dma_wait3A_44, %dma_wait3A_45, %dma_wait3A_46] : memref<2x100x100xi32, #tpu.memory_space<vmem>> -> memref<1x100x100xi32, #tpu.memory_space<vmem>>
    %dma_wait3A_48 = tpu.memref_squeeze %dma_wait3A_47 : memref<1x100x100xi32, #tpu.memory_space<vmem>> -> memref<100x100xi32, #tpu.memory_space<vmem>>
    %dma_wait3A_49 = arith.constant 0 : i32
    %dma_wait3A_50 = arith.constant 0 : i32
    %dma_wait3A_51 = tpu.memref_slice %arg3[%dma_wait3A, %add3A, %dma_wait3A_49, %dma_wait3A_50] : memref<2x32x100x100xi32, #tpu.memory_space<hbm>> -> memref<1x1x100x100xi32, #tpu.memory_space<hbm>>
    %dma_wait3A_52 = tpu.memref_squeeze %dma_wait3A_51 : memref<1x1x100x100xi32, #tpu.memory_space<hbm>> -> memref<100x100xi32, #tpu.memory_space<hbm>>
    %dma_wait3A_53 = arith.constant 0 : i32
    %dma_wait3A_54 = arith.constant 0 : i32
    %dma_wait3A_55 = tpu.memref_slice %arg6[%dma_wait3A_44, %dma_wait3A_53, %dma_wait3A_54] : memref<2x100x100xi32, #tpu.memory_space<vmem>> -> memref<1x100x100xi32, #tpu.memory_space<vmem>>
    %dma_wait3A_56 = tpu.memref_squeeze %dma_wait3A_55 : memref<1x100x100xi32, #tpu.memory_space<vmem>> -> memref<100x100xi32, #tpu.memory_space<vmem>>
    %dma_wait3A_57 = arith.constant 0 : i32
    %dma_wait3A_58 = arith.constant 0 : i32
    %dma_wait3A_59 = tpu.memref_slice %arg3[%dma_wait3A, %add3A, %dma_wait3A_57, %dma_wait3A_58] : memref<2x32x100x100xi32, #tpu.memory_space<hbm>> -> memref<1x1x100x100xi32, #tpu.memory_space<hbm>>
    %dma_wait3A_60 = tpu.memref_squeeze %dma_wait3A_59 : memref<1x1x100x100xi32, #tpu.memory_space<hbm>> -> memref<100x100xi32, #tpu.memory_space<hbm>>
    tpu.wait_dma2 semaphore(%arg10 : memref<!tpu.dma_semaphore, #tpu.memory_space<semaphore_mem>>) src(%dma_wait3A_60 : memref<100x100xi32, #tpu.memory_space<hbm>>) dst(%dma_wait3A_56 : memref<100x100xi32, #tpu.memory_space<vmem>>)
    %dma_wait3A_61 = arith.constant 1 : i32
    %dma_wait3A_62 = arith.constant 1 : i32
    %dma_wait3A_63 = arith.constant 0 : i32
    %dma_wait3A_64 = arith.constant 0 : i32
    %dma_wait3A_65 = tpu.memref_slice %arg6[%dma_wait3A_62, %dma_wait3A_63, %dma_wait3A_64] : memref<2x100x100xi32, #tpu.memory_space<vmem>> -> memref<1x100x100xi32, #tpu.memory_space<vmem>>
    %dma_wait3A_66 = tpu.memref_squeeze %dma_wait3A_65 : memref<1x100x100xi32, #tpu.memory_space<vmem>> -> memref<100x100xi32, #tpu.memory_space<vmem>>
    %dma_wait3A_67 = arith.constant 0 : i32
    %dma_wait3A_68 = arith.constant 0 : i32
    %dma_wait3A_69 = tpu.memref_slice %arg3[%dma_wait3A_61, %add3A, %dma_wait3A_67, %dma_wait3A_68] : memref<2x32x100x100xi32, #tpu.memory_space<hbm>> -> memref<1x1x100x100xi32, #tpu.memory_space<hbm>>
    %dma_wait3A_70 = tpu.memref_squeeze %dma_wait3A_69 : memref<1x1x100x100xi32, #tpu.memory_space<hbm>> -> memref<100x100xi32, #tpu.memory_space<hbm>>
    %dma_wait3A_71 = arith.constant 0 : i32
    %dma_wait3A_72 = arith.constant 0 : i32
    %dma_wait3A_73 = tpu.memref_slice %arg6[%dma_wait3A_62, %dma_wait3A_71, %dma_wait3A_72] : memref<2x100x100xi32, #tpu.memory_space<vmem>> -> memref<1x100x100xi32, #tpu.memory_space<vmem>>
    %dma_wait3A_74 = tpu.memref_squeeze %dma_wait3A_73 : memref<1x100x100xi32, #tpu.memory_space<vmem>> -> memref<100x100xi32, #tpu.memory_space<vmem>>
    %dma_wait3A_75 = arith.constant 0 : i32
    %dma_wait3A_76 = arith.constant 0 : i32
    %dma_wait3A_77 = tpu.memref_slice %arg3[%dma_wait3A_61, %add3A, %dma_wait3A_75, %dma_wait3A_76] : memref<2x32x100x100xi32, #tpu.memory_space<hbm>> -> memref<1x1x100x100xi32, #tpu.memory_space<hbm>>
    %dma_wait3A_78 = tpu.memref_squeeze %dma_wait3A_77 : memref<1x1x100x100xi32, #tpu.memory_space<hbm>> -> memref<100x100xi32, #tpu.memory_space<hbm>>
    tpu.wait_dma2 semaphore(%arg11 : memref<!tpu.dma_semaphore, #tpu.memory_space<semaphore_mem>>) src(%dma_wait3A_78 : memref<100x100xi32, #tpu.memory_space<hbm>>) dst(%dma_wait3A_74 : memref<100x100xi32, #tpu.memory_space<vmem>>)
    %barrier3A = arith.constant 0 : index
    tpu.barrier barrier_id(%barrier3A)
    %dma_start3A_79 = arith.constant 0 : i32
    %dma_start3A_80 = arith.constant 0 : i32
    %dma_start3A_81 = arith.constant 0 : i32
    %dma_start3A_82 = tpu.memref_slice %arg6[%dma_start3A_79, %dma_start3A_80, %dma_start3A_81] : memref<2x100x100xi32, #tpu.memory_space<vmem>> -> memref<1x1x100xi32, #tpu.memory_space<vmem>>
    %dma_start3A_83 = tpu.memref_squeeze %dma_start3A_82 : memref<1x1x100xi32, #tpu.memory_space<vmem>> -> memref<100xi32, #tpu.memory_space<vmem>>
    %dma_start3A_84 = arith.constant 0 : i32
    %dma_start3A_85 = arith.constant 0 : i32
    %dma_start3A_86 = tpu.memref_slice %arg2[%dma_start3A_84, %dma_start3A_85] : memref<10000x128xf32, #tpu.memory_space<hbm>> -> memref<10000x128xf32, #tpu.memory_space<hbm>>
    tpu.enqueue_indirect_dma source(%dma_start3A_86 : memref<10000x128xf32, #tpu.memory_space<hbm>>) target(%arg7 : memref<100x128xf32, #tpu.memory_space<vmem>>) offsets(%dma_start3A_83 : memref<100xi32, #tpu.memory_space<vmem>>) semaphore(%arg10 : memref<!tpu.dma_semaphore, #tpu.memory_space<semaphore_mem>>)
    %dma_start3A_87 = arith.constant 0 : i32
    %dma_start3A_88 = arith.constant 1 : i32
    %dma_start3A_89 = arith.constant 0 : i32
    %dma_start3A_90 = tpu.memref_slice %arg6[%dma_start3A_87, %dma_start3A_88, %dma_start3A_89] : memref<2x100x100xi32, #tpu.memory_space<vmem>> -> memref<1x1x100xi32, #tpu.memory_space<vmem>>
    %dma_start3A_91 = tpu.memref_squeeze %dma_start3A_90 : memref<1x1x100xi32, #tpu.memory_space<vmem>> -> memref<100xi32, #tpu.memory_space<vmem>>
    %dma_start3A_92 = arith.constant 0 : i32
    %dma_start3A_93 = arith.constant 0 : i32
    %dma_start3A_94 = tpu.memref_slice %arg2[%dma_start3A_92, %dma_start3A_93] : memref<10000x128xf32, #tpu.memory_space<hbm>> -> memref<10000x128xf32, #tpu.memory_space<hbm>>
    tpu.enqueue_indirect_dma source(%dma_start3A_94 : memref<10000x128xf32, #tpu.memory_space<hbm>>) target(%arg8 : memref<100x128xf32, #tpu.memory_space<vmem>>) offsets(%dma_start3A_91 : memref<100xi32, #tpu.memory_space<vmem>>) semaphore(%arg11 : memref<!tpu.dma_semaphore, #tpu.memory_space<semaphore_mem>>)
    %scan3A = arith.constant 0 : i32
    %scan3A_95 = arith.constant 0 : i32
    %scan3A_96 = arith.constant 50 : i32
    %scan3A_97 = arith.addi %scan3A_95, %scan3A_96 : i32
    %scan3A_98 = arith.constant 1 : i32
    scf.for %scan3A_123 = %scan3A_95 to %scan3A_97 step %scan3A_98  : i32 {
      %mul3A_124 = arith.constant 2 : i32
      %mul3A_125 = arith.muli %mul3A_124, %scan3A_123 : i32
      %dma_wait3A_126 = arith.constant 0 : i32
      %dma_wait3A_127 = arith.constant 0 : i32
      %dma_wait3A_128 = tpu.memref_slice %arg2[%dma_wait3A_126, %dma_wait3A_127] : memref<10000x128xf32, #tpu.memory_space<hbm>> -> memref<100x128xf32, #tpu.memory_space<hbm>>
      %dma_wait3A_129 = arith.constant 0 : i32
      %dma_wait3A_130 = arith.constant 0 : i32
      %dma_wait3A_131 = tpu.memref_slice %arg2[%dma_wait3A_129, %dma_wait3A_130] : memref<10000x128xf32, #tpu.memory_space<hbm>> -> memref<100x128xf32, #tpu.memory_space<hbm>>
      tpu.wait_dma2 semaphore(%arg10 : memref<!tpu.dma_semaphore, #tpu.memory_space<semaphore_mem>>) src(%dma_wait3A_131 : memref<100x128xf32, #tpu.memory_space<hbm>>) dst(%arg7 : memref<100x128xf32, #tpu.memory_space<vmem>>)
      %run_scoped3A = arith.constant 1 : i32
      "tpu.region"() ({
        %run_scoped3A_162 = tpu.sem_alloc : memref<!tpu.dma_semaphore, #tpu.memory_space<semaphore_mem>>
        %dma_start3A_163 = arith.constant 0 : i32
        %dma_start3A_164 = tpu.memref_slice %arg6[%run_scoped3A, %mul3A_125, %dma_start3A_163] : memref<2x100x100xi32, #tpu.memory_space<vmem>> -> memref<1x1x100xi32, #tpu.memory_space<vmem>>
        %dma_start3A_165 = tpu.memref_squeeze %dma_start3A_164 : memref<1x1x100xi32, #tpu.memory_space<vmem>> -> memref<100xi32, #tpu.memory_space<vmem>>
        %dma_start3A_166 = arith.constant 0 : i32
        %dma_start3A_167 = arith.constant 0 : i32
        %dma_start3A_168 = tpu.memref_slice %arg9[%dma_start3A_166, %dma_start3A_167] : memref<10000x128xf32, #tpu.memory_space<vmem_shared>> -> memref<10000x128xf32, #tpu.memory_space<vmem_shared>>
        tpu.enqueue_indirect_dma source(%arg7 : memref<100x128xf32, #tpu.memory_space<vmem>>) target(%dma_start3A_168 : memref<10000x128xf32, #tpu.memory_space<vmem_shared>>) offsets(%dma_start3A_165 : memref<100xi32, #tpu.memory_space<vmem>>) semaphore(%run_scoped3A_162 : memref<!tpu.dma_semaphore, #tpu.memory_space<semaphore_mem>>) {add = true}
        %dma_wait3A_169 = arith.constant 0 : i32
        %dma_wait3A_170 = tpu.memref_slice %arg6[%run_scoped3A, %mul3A_125, %dma_wait3A_169] : memref<2x100x100xi32, #tpu.memory_space<vmem>> -> memref<1x1x100xi32, #tpu.memory_space<vmem>>
        %dma_wait3A_171 = tpu.memref_squeeze %dma_wait3A_170 : memref<1x1x100xi32, #tpu.memory_space<vmem>> -> memref<100xi32, #tpu.memory_space<vmem>>
        %dma_wait3A_172 = arith.constant 0 : i32
        %dma_wait3A_173 = arith.constant 0 : i32
        %dma_wait3A_174 = tpu.memref_slice %arg9[%dma_wait3A_172, %dma_wait3A_173] : memref<10000x128xf32, #tpu.memory_space<vmem_shared>> -> memref<10000x128xf32, #tpu.memory_space<vmem_shared>>
        tpu.wait_indirect_dma semaphore(%run_scoped3A_162 : memref<!tpu.dma_semaphore, #tpu.memory_space<semaphore_mem>>) src(%arg7 : memref<100x128xf32, #tpu.memory_space<vmem>>) dst(%dma_wait3A_174 : memref<10000x128xf32, #tpu.memory_space<vmem_shared>>)
        tpu.yield
      }) : () -> ()
      %add3A_132 = arith.constant 2 : i32
      %add3A_133 = arith.addi %mul3A_125, %add3A_132 : i32
      %min3A = arith.constant 99 : i32
      %min3A_134 = arith.minsi %add3A_133, %min3A : i32
      %dma_start3A_135 = arith.constant 0 : i32
      %dma_start3A_136 = arith.constant 0 : i32
      %dma_start3A_137 = tpu.memref_slice %arg6[%dma_start3A_135, %min3A_134, %dma_start3A_136] : memref<2x100x100xi32, #tpu.memory_space<vmem>> -> memref<1x1x100xi32, #tpu.memory_space<vmem>>
      %dma_start3A_138 = tpu.memref_squeeze %dma_start3A_137 : memref<1x1x100xi32, #tpu.memory_space<vmem>> -> memref<100xi32, #tpu.memory_space<vmem>>
      %dma_start3A_139 = arith.constant 0 : i32
      %dma_start3A_140 = arith.constant 0 : i32
      %dma_start3A_141 = tpu.memref_slice %arg2[%dma_start3A_139, %dma_start3A_140] : memref<10000x128xf32, #tpu.memory_space<hbm>> -> memref<10000x128xf32, #tpu.memory_space<hbm>>
      tpu.enqueue_indirect_dma source(%dma_start3A_141 : memref<10000x128xf32, #tpu.memory_space<hbm>>) target(%arg7 : memref<100x128xf32, #tpu.memory_space<vmem>>) offsets(%dma_start3A_138 : memref<100xi32, #tpu.memory_space<vmem>>) semaphore(%arg10 : memref<!tpu.dma_semaphore, #tpu.memory_space<semaphore_mem>>)
      %dma_wait3A_142 = arith.constant 0 : i32
      %dma_wait3A_143 = arith.constant 0 : i32
      %dma_wait3A_144 = tpu.memref_slice %arg2[%dma_wait3A_142, %dma_wait3A_143] : memref<10000x128xf32, #tpu.memory_space<hbm>> -> memref<100x128xf32, #tpu.memory_space<hbm>>
      %dma_wait3A_145 = arith.constant 0 : i32
      %dma_wait3A_146 = arith.constant 0 : i32
      %dma_wait3A_147 = tpu.memref_slice %arg2[%dma_wait3A_145, %dma_wait3A_146] : memref<10000x128xf32, #tpu.memory_space<hbm>> -> memref<100x128xf32, #tpu.memory_space<hbm>>
      tpu.wait_dma2 semaphore(%arg11 : memref<!tpu.dma_semaphore, #tpu.memory_space<semaphore_mem>>) src(%dma_wait3A_147 : memref<100x128xf32, #tpu.memory_space<hbm>>) dst(%arg8 : memref<100x128xf32, #tpu.memory_space<vmem>>)
      %add3A_148 = arith.constant 1 : i32
      %add3A_149 = arith.addi %mul3A_125, %add3A_148 : i32
      %run_scoped3A_150 = arith.constant 1 : i32
      "tpu.region"() ({
        %run_scoped3A_162 = tpu.sem_alloc : memref<!tpu.dma_semaphore, #tpu.memory_space<semaphore_mem>>
        %dma_start3A_163 = arith.constant 0 : i32
        %dma_start3A_164 = tpu.memref_slice %arg6[%run_scoped3A_150, %add3A_149, %dma_start3A_163] : memref<2x100x100xi32, #tpu.memory_space<vmem>> -> memref<1x1x100xi32, #tpu.memory_space<vmem>>
        %dma_start3A_165 = tpu.memref_squeeze %dma_start3A_164 : memref<1x1x100xi32, #tpu.memory_space<vmem>> -> memref<100xi32, #tpu.memory_space<vmem>>
        %dma_start3A_166 = arith.constant 0 : i32
        %dma_start3A_167 = arith.constant 0 : i32
        %dma_start3A_168 = tpu.memref_slice %arg9[%dma_start3A_166, %dma_start3A_167] : memref<10000x128xf32, #tpu.memory_space<vmem_shared>> -> memref<10000x128xf32, #tpu.memory_space<vmem_shared>>
        tpu.enqueue_indirect_dma source(%arg8 : memref<100x128xf32, #tpu.memory_space<vmem>>) target(%dma_start3A_168 : memref<10000x128xf32, #tpu.memory_space<vmem_shared>>) offsets(%dma_start3A_165 : memref<100xi32, #tpu.memory_space<vmem>>) semaphore(%run_scoped3A_162 : memref<!tpu.dma_semaphore, #tpu.memory_space<semaphore_mem>>) {add = true}
        %dma_wait3A_169 = arith.constant 0 : i32
        %dma_wait3A_170 = tpu.memref_slice %arg6[%run_scoped3A_150, %add3A_149, %dma_wait3A_169] : memref<2x100x100xi32, #tpu.memory_space<vmem>> -> memref<1x1x100xi32, #tpu.memory_space<vmem>>
        %dma_wait3A_171 = tpu.memref_squeeze %dma_wait3A_170 : memref<1x1x100xi32, #tpu.memory_space<vmem>> -> memref<100xi32, #tpu.memory_space<vmem>>
        %dma_wait3A_172 = arith.constant 0 : i32
        %dma_wait3A_173 = arith.constant 0 : i32
        %dma_wait3A_174 = tpu.memref_slice %arg9[%dma_wait3A_172, %dma_wait3A_173] : memref<10000x128xf32, #tpu.memory_space<vmem_shared>> -> memref<10000x128xf32, #tpu.memory_space<vmem_shared>>
        tpu.wait_indirect_dma semaphore(%run_scoped3A_162 : memref<!tpu.dma_semaphore, #tpu.memory_space<semaphore_mem>>) src(%arg8 : memref<100x128xf32, #tpu.memory_space<vmem>>) dst(%dma_wait3A_174 : memref<10000x128xf32, #tpu.memory_space<vmem_shared>>)
        tpu.yield
      }) : () -> ()
      %add3A_151 = arith.constant 3 : i32
      %add3A_152 = arith.addi %mul3A_125, %add3A_151 : i32
      %min3A_153 = arith.constant 99 : i32
      %min3A_154 = arith.minsi %add3A_152, %min3A_153 : i32
      %dma_start3A_155 = arith.constant 0 : i32
      %dma_start3A_156 = arith.constant 0 : i32
      %dma_start3A_157 = tpu.memref_slice %arg6[%dma_start3A_155, %min3A_154, %dma_start3A_156] : memref<2x100x100xi32, #tpu.memory_space<vmem>> -> memref<1x1x100xi32, #tpu.memory_space<vmem>>
      %dma_start3A_158 = tpu.memref_squeeze %dma_start3A_157 : memref<1x1x100xi32, #tpu.memory_space<vmem>> -> memref<100xi32, #tpu.memory_space<vmem>>
      %dma_start3A_159 = arith.constant 0 : i32
      %dma_start3A_160 = arith.constant 0 : i32
      %dma_start3A_161 = tpu.memref_slice %arg2[%dma_start3A_159, %dma_start3A_160] : memref<10000x128xf32, #tpu.memory_space<hbm>> -> memref<10000x128xf32, #tpu.memory_space<hbm>>
      tpu.enqueue_indirect_dma source(%dma_start3A_161 : memref<10000x128xf32, #tpu.memory_space<hbm>>) target(%arg8 : memref<100x128xf32, #tpu.memory_space<vmem>>) offsets(%dma_start3A_158 : memref<100xi32, #tpu.memory_space<vmem>>) semaphore(%arg11 : memref<!tpu.dma_semaphore, #tpu.memory_space<semaphore_mem>>)
    }
    %scan3A_99 = arith.constant 50 : i32
    %dma_wait3A_100 = arith.constant 0 : i32
    %dma_wait3A_101 = arith.constant 0 : i32
    %dma_wait3A_102 = tpu.memref_slice %arg2[%dma_wait3A_100, %dma_wait3A_101] : memref<10000x128xf32, #tpu.memory_space<hbm>> -> memref<100x128xf32, #tpu.memory_space<hbm>>
    %dma_wait3A_103 = arith.constant 0 : i32
    %dma_wait3A_104 = arith.constant 0 : i32
    %dma_wait3A_105 = tpu.memref_slice %arg2[%dma_wait3A_103, %dma_wait3A_104] : memref<10000x128xf32, #tpu.memory_space<hbm>> -> memref<100x128xf32, #tpu.memory_space<hbm>>
    tpu.wait_dma2 semaphore(%arg10 : memref<!tpu.dma_semaphore, #tpu.memory_space<semaphore_mem>>) src(%dma_wait3A_105 : memref<100x128xf32, #tpu.memory_space<hbm>>) dst(%arg7 : memref<100x128xf32, #tpu.memory_space<vmem>>)
    %dma_wait3A_106 = arith.constant 0 : i32
    %dma_wait3A_107 = arith.constant 0 : i32
    %dma_wait3A_108 = tpu.memref_slice %arg2[%dma_wait3A_106, %dma_wait3A_107] : memref<10000x128xf32, #tpu.memory_space<hbm>> -> memref<100x128xf32, #tpu.memory_space<hbm>>
    %dma_wait3A_109 = arith.constant 0 : i32
    %dma_wait3A_110 = arith.constant 0 : i32
    %dma_wait3A_111 = tpu.memref_slice %arg2[%dma_wait3A_109, %dma_wait3A_110] : memref<10000x128xf32, #tpu.memory_space<hbm>> -> memref<100x128xf32, #tpu.memory_space<hbm>>
    tpu.wait_dma2 semaphore(%arg11 : memref<!tpu.dma_semaphore, #tpu.memory_space<semaphore_mem>>) src(%dma_wait3A_111 : memref<100x128xf32, #tpu.memory_space<hbm>>) dst(%arg8 : memref<100x128xf32, #tpu.memory_space<vmem>>)
    %barrier3A_112 = arith.constant 0 : index
    tpu.barrier barrier_id(%barrier3A_112)
    %lt3A_113 = arith.constant 15 : i32
    %lt3A_114 = arith.cmpi slt, %arg1, %lt3A_113 : i32
    %convert_element_type3A_115 = arith.extui %lt3A_114 : i1 to i32
    %cond3A_116 = arith.constant 0 : i32
    %cond3A_117 = arith.cmpi ne, %convert_element_type3A_115, %cond3A_116 : i32
    scf.if %cond3A_117 {
      "tpu.region"() ({
        %run_scoped3A = tpu.sem_alloc : memref<!tpu.dma_semaphore, #tpu.memory_space<semaphore_mem>>
        %dma_start3A_123 = arith.constant 0 : i32
        %dma_start3A_124 = tpu.memref_slice %arg5[%arg0, %mul3A_2, %dma_start3A_123] : memref<2x10000x128xf32, #tpu.memory_space<hbm>> -> memref<1x624x128xf32, #tpu.memory_space<hbm>>
        %dma_start3A_125 = tpu.memref_squeeze %dma_start3A_124 : memref<1x624x128xf32, #tpu.memory_space<hbm>> -> memref<624x128xf32, #tpu.memory_space<hbm>>
        %dma_start3A_126 = arith.constant 0 : i32
        %dma_start3A_127 = tpu.memref_slice %arg9[%mul3A_2, %dma_start3A_126] : memref<10000x128xf32, #tpu.memory_space<vmem_shared>> -> memref<624x128xf32, #tpu.memory_space<vmem_shared>>
        tpu.enqueue_dma source(%dma_start3A_127 : memref<624x128xf32, #tpu.memory_space<vmem_shared>>) target(%dma_start3A_125 : memref<624x128xf32, #tpu.memory_space<hbm>>) target_semaphore(%run_scoped3A : memref<!tpu.dma_semaphore, #tpu.memory_space<semaphore_mem>>)
        %dma_wait3A_128 = arith.constant 0 : i32
        %dma_wait3A_129 = tpu.memref_slice %arg5[%arg0, %mul3A_2, %dma_wait3A_128] : memref<2x10000x128xf32, #tpu.memory_space<hbm>> -> memref<1x624x128xf32, #tpu.memory_space<hbm>>
        %dma_wait3A_130 = tpu.memref_squeeze %dma_wait3A_129 : memref<1x624x128xf32, #tpu.memory_space<hbm>> -> memref<624x128xf32, #tpu.memory_space<hbm>>
        %dma_wait3A_131 = arith.constant 0 : i32
        %dma_wait3A_132 = tpu.memref_slice %arg9[%mul3A_2, %dma_wait3A_131] : memref<10000x128xf32, #tpu.memory_space<vmem_shared>> -> memref<624x128xf32, #tpu.memory_space<vmem_shared>>
        tpu.wait_dma2 semaphore(%run_scoped3A : memref<!tpu.dma_semaphore, #tpu.memory_space<semaphore_mem>>) src(%dma_wait3A_132 : memref<624x128xf32, #tpu.memory_space<vmem_shared>>) dst(%dma_wait3A_130 : memref<624x128xf32, #tpu.memory_space<hbm>>)
        tpu.yield
      }) : () -> ()
    } else {
    }
    %eq3A_118 = arith.constant 15 : i32
    %eq3A_119 = arith.cmpi eq, %arg1, %eq3A_118 : i32
    %convert_element_type3A_120 = arith.extui %eq3A_119 : i1 to i32
    %cond3A_121 = arith.constant 0 : i32
    %cond3A_122 = arith.cmpi ne, %convert_element_type3A_120, %cond3A_121 : i32
    scf.if %cond3A_122 {
      "tpu.region"() ({
        %run_scoped3A = tpu.sem_alloc : memref<!tpu.dma_semaphore, #tpu.memory_space<semaphore_mem>>
        %dma_start3A_123 = arith.constant 9360 : i32
        %dma_start3A_124 = arith.constant 0 : i32
        %dma_start3A_125 = tpu.memref_slice %arg5[%arg0, %dma_start3A_123, %dma_start3A_124] : memref<2x10000x128xf32, #tpu.memory_space<hbm>> -> memref<1x640x128xf32, #tpu.memory_space<hbm>>
        %dma_start3A_126 = tpu.memref_squeeze %dma_start3A_125 : memref<1x640x128xf32, #tpu.memory_space<hbm>> -> memref<640x128xf32, #tpu.memory_space<hbm>>
        %dma_start3A_127 = arith.constant 9360 : i32
        %dma_start3A_128 = arith.constant 0 : i32
        %dma_start3A_129 = tpu.memref_slice %arg9[%dma_start3A_127, %dma_start3A_128] : memref<10000x128xf32, #tpu.memory_space<vmem_shared>> -> memref<640x128xf32, #tpu.memory_space<vmem_shared>>
        tpu.enqueue_dma source(%dma_start3A_129 : memref<640x128xf32, #tpu.memory_space<vmem_shared>>) target(%dma_start3A_126 : memref<640x128xf32, #tpu.memory_space<hbm>>) target_semaphore(%run_scoped3A : memref<!tpu.dma_semaphore, #tpu.memory_space<semaphore_mem>>)
        %dma_wait3A_130 = arith.constant 9360 : i32
        %dma_wait3A_131 = arith.constant 0 : i32
        %dma_wait3A_132 = tpu.memref_slice %arg5[%arg0, %dma_wait3A_130, %dma_wait3A_131] : memref<2x10000x128xf32, #tpu.memory_space<hbm>> -> memref<1x640x128xf32, #tpu.memory_space<hbm>>
        %dma_wait3A_133 = tpu.memref_squeeze %dma_wait3A_132 : memref<1x640x128xf32, #tpu.memory_space<hbm>> -> memref<640x128xf32, #tpu.memory_space<hbm>>
        %dma_wait3A_134 = arith.constant 9360 : i32
        %dma_wait3A_135 = arith.constant 0 : i32
        %dma_wait3A_136 = tpu.memref_slice %arg9[%dma_wait3A_134, %dma_wait3A_135] : memref<10000x128xf32, #tpu.memory_space<vmem_shared>> -> memref<640x128xf32, #tpu.memory_space<vmem_shared>>
        tpu.wait_dma2 semaphore(%run_scoped3A : memref<!tpu.dma_semaphore, #tpu.memory_space<semaphore_mem>>) src(%dma_wait3A_136 : memref<640x128xf32, #tpu.memory_space<vmem_shared>>) dst(%dma_wait3A_133 : memref<640x128xf32, #tpu.memory_space<hbm>>)
        tpu.yield
      }) : () -> ()
    } else {
    }
    return
  }
}

module attributes {stable_mosaic.version = 14 : i64} {
  func.func @body(%arg0: i32, %arg1: memref<2000x128xf32, #tpu.memory_space<vmem>>, %arg2: memref<2x2000x128xf32, #tpu.memory_space<vmem>>, %arg3: memref<2000x1xf32, #tpu.memory_space<vmem>>, %arg4: memref<128x128xf32, #tpu.memory_space<vmem>>, %arg5: memref<128xf32, #tpu.memory_space<vmem>>, %arg6: memref<128x128xf32, #tpu.memory_space<vmem>>, %arg7: memref<128xf32, #tpu.memory_space<vmem>>, %arg8: memref<1x128xf32, #tpu.memory_space<vmem>>, %arg9: memref<2x128xf32, #tpu.memory_space<vmem>>) attributes {dimension_semantics = [#tpu.dimension_semantics<arbitrary>], iteration_bounds = array<i64: 5>, scalar_prefetch = 0 : i64, scratch_operands = 1 : i64, tpu.core_type = #tpu.core_type<tc>, window_params = [{transform_indices = @transform_0, window_bounds = array<i64: 2000, 128>}, {transform_indices = @transform_1, window_bounds = array<i64: 2, 2000, 128>}, {transform_indices = @transform_2, window_bounds = array<i64: 2000, 1>}, {pipeline_mode = #tpu.pipeline_mode<synchronous>, transform_indices = @transform_3, window_bounds = array<i64: 128, 128>}, {pipeline_mode = #tpu.pipeline_mode<synchronous>, transform_indices = @transform_4, window_bounds = array<i64: 128>}, {pipeline_mode = #tpu.pipeline_mode<synchronous>, transform_indices = @transform_5, window_bounds = array<i64: 128, 128>}, {pipeline_mode = #tpu.pipeline_mode<synchronous>, transform_indices = @transform_6, window_bounds = array<i64: 128>}, {pipeline_mode = #tpu.pipeline_mode<synchronous>, transform_indices = @transform_7, window_bounds = array<i64: 1, 128>}]} {
    %get3A = arith.constant 0 : index
    %get3A_0 = arith.constant 0 : index
    %get3A_1 = vector.load %arg1[%get3A, %get3A_0] : memref<2000x128xf32, #tpu.memory_space<vmem>>, vector<2000x128xf32>
    %get3A_2 = arith.constant 0 : index
    %get3A_3 = arith.constant 0 : index
    %get3A_4 = arith.constant 0 : index
    %get3A_5 = vector.load %arg2[%get3A_2, %get3A_3, %get3A_4] : memref<2x2000x128xf32, #tpu.memory_space<vmem>>, vector<1x2000x128xf32>
    %get3A_6 = vector.shape_cast %get3A_5 : vector<1x2000x128xf32> to vector<2000x128xf32>
    %add3A = arith.addf %get3A_1, %get3A_6 : vector<2000x128xf32>
    %get3A_7 = arith.constant 1 : index
    %get3A_8 = arith.constant 0 : index
    %get3A_9 = arith.constant 0 : index
    %get3A_10 = vector.load %arg2[%get3A_7, %get3A_8, %get3A_9] : memref<2x2000x128xf32, #tpu.memory_space<vmem>>, vector<1x2000x128xf32>
    %get3A_11 = vector.shape_cast %get3A_10 : vector<1x2000x128xf32> to vector<2000x128xf32>
    %add3A_12 = arith.addf %add3A, %get3A_11 : vector<2000x128xf32>
    %get3A_13 = arith.constant 0 : index
    %get3A_14 = arith.constant 0 : index
    %get3A_15 = vector.load %arg4[%get3A_13, %get3A_14] : memref<128x128xf32, #tpu.memory_space<vmem>>, vector<128x128xf32>
    %transpose3A = tpu.transpose %get3A_15, [1, 0] : vector<128x128xf32> -> vector<128x128xf32>
    %dot_general3A = arith.constant dense<0.000000e+00> : vector<2000x128xf32>
    %dot_general3A_16 = tpu.matmul %add3A_12, %transpose3A, %dot_general3A {dimension_numbers = #tpu.dot_dimension_numbers<[1], [0], [0], [1], [0, 0, 1, 1], [], []>, transpose_lhs_hint = false} : vector<2000x128xf32>, vector<128x128xf32>, vector<2000x128xf32> -> vector<2000x128xf32>
    %get3A_17 = arith.constant 0 : index
    %get3A_18 = vector.load %arg5[%get3A_17] : memref<128xf32, #tpu.memory_space<vmem>>, vector<128xf32>
    %broadcast_in_dim3A = vector.shape_cast %get3A_18 : vector<128xf32> to vector<1x128xf32>
    %add3A_19 = vector.broadcast %broadcast_in_dim3A : vector<1x128xf32> to vector<2000x128xf32>
    %add3A_20 = arith.addf %dot_general3A_16, %add3A_19 : vector<2000x128xf32>
    %max3A = arith.constant 0.000000e+00 : f32
    %max3A_21 = vector.broadcast %max3A : f32 to vector<2000x128xf32>
    %max3A_22 = arith.maximumf %add3A_20, %max3A_21 : vector<2000x128xf32>
    %get3A_23 = arith.constant 0 : index
    %get3A_24 = arith.constant 0 : index
    %get3A_25 = vector.load %arg3[%get3A_23, %get3A_24] : memref<2000x1xf32, #tpu.memory_space<vmem>>, vector<2000x1xf32>
    %mul3A = vector.broadcast %get3A_25 : vector<2000x1xf32> to vector<2000x128xf32>
    %mul3A_26 = arith.mulf %max3A_22, %mul3A : vector<2000x128xf32>
    %reduce_sum3A = arith.constant dense<0.000000e+00> : vector<128xf32>
    %reduce_sum3A_27 = vector.multi_reduction <add>, %mul3A_26, %reduce_sum3A [0] : vector<2000x128xf32> to vector<128xf32>
    %broadcast_in_dim3A_28 = vector.shape_cast %reduce_sum3A_27 : vector<128xf32> to vector<1x128xf32>
    %reduce_sum3A_29 = vector.shape_cast %get3A_25 : vector<2000x1xf32> to vector<1x2000x1xf32>
    %reduce_sum3A_30 = arith.constant dense<0.000000e+00> : vector<1xf32>
    %reduce_sum3A_31 = vector.multi_reduction <add>, %reduce_sum3A_29, %reduce_sum3A_30 [1, 2] : vector<1x2000x1xf32> to vector<1xf32>
    %reduce_sum3A_32 = vector.shape_cast %reduce_sum3A_31 : vector<1xf32> to vector<1x1x1xf32>
    %reduce_sum3A_33 = vector.extract %reduce_sum3A_32[0, 0, 0] : f32 from vector<1x1x1xf32>
    %eq3A = arith.constant 0 : i32
    %eq3A_34 = arith.cmpi eq, %arg0, %eq3A : i32
    %convert_element_type3A = arith.extui %eq3A_34 : i1 to i32
    %cond3A = arith.constant 0 : i32
    %cond3A_35 = arith.cmpi ne, %convert_element_type3A, %cond3A : i32
    scf.if %cond3A_35 {
      %broadcast_in_dim3A_55 = arith.constant 0.000000e+00 : f32
      %broadcast_in_dim3A_56 = vector.broadcast %broadcast_in_dim3A_55 : f32 to vector<2x128xf32>
      %swap3A_57 = arith.constant 0 : index
      %swap3A_58 = arith.constant 0 : index
      %swap3A_59 = vector.load %arg9[%swap3A_57, %swap3A_58] : memref<2x128xf32, #tpu.memory_space<vmem>>, vector<2x128xf32>
      tpu.vector_store %arg9[%swap3A_57, %swap3A_58], %broadcast_in_dim3A_56 {strides = array<i32>} : memref<2x128xf32, #tpu.memory_space<vmem>>, vector<2x128xf32>,
    } else {
    }
    %get3A_36 = arith.constant 0 : index
    %get3A_37 = arith.constant 0 : index
    %get3A_38 = vector.load %arg9[%get3A_36, %get3A_37] : memref<2x128xf32, #tpu.memory_space<vmem>>, vector<1x128xf32>
    %add3A_39 = arith.addf %get3A_38, %broadcast_in_dim3A_28 : vector<1x128xf32>
    %swap3A = arith.constant 0 : index
    %swap3A_40 = arith.constant 0 : index
    %swap3A_41 = vector.load %arg9[%swap3A, %swap3A_40] : memref<2x128xf32, #tpu.memory_space<vmem>>, vector<1x128xf32>
    tpu.vector_store %arg9[%swap3A, %swap3A_40], %add3A_39 {strides = array<i32>} : memref<2x128xf32, #tpu.memory_space<vmem>>, vector<1x128xf32>,
    %get3A_42 = arith.constant 1 : index
    %get3A_43 = arith.constant 0 : index
    %get3A_44 = vector.load %arg9[%get3A_42, %get3A_43] : memref<2x128xf32, #tpu.memory_space<vmem>>, vector<1x128xf32>
    %add3A_45 = vector.broadcast %reduce_sum3A_33 : f32 to vector<1x128xf32>
    %add3A_46 = arith.addf %get3A_44, %add3A_45 : vector<1x128xf32>
    %swap3A_47 = arith.constant 1 : index
    %swap3A_48 = arith.constant 0 : index
    %swap3A_49 = vector.load %arg9[%swap3A_47, %swap3A_48] : memref<2x128xf32, #tpu.memory_space<vmem>>, vector<1x128xf32>
    tpu.vector_store %arg9[%swap3A_47, %swap3A_48], %add3A_46 {strides = array<i32>} : memref<2x128xf32, #tpu.memory_space<vmem>>, vector<1x128xf32>,
    %eq3A_50 = arith.constant 4 : i32
    %eq3A_51 = arith.cmpi eq, %arg0, %eq3A_50 : i32
    %convert_element_type3A_52 = arith.extui %eq3A_51 : i1 to i32
    %cond3A_53 = arith.constant 0 : i32
    %cond3A_54 = arith.cmpi ne, %convert_element_type3A_52, %cond3A_53 : i32
    scf.if %cond3A_54 {
      %get3A_55 = arith.constant 0 : index
      %get3A_56 = arith.constant 0 : index
      %get3A_57 = vector.load %arg9[%get3A_55, %get3A_56] : memref<2x128xf32, #tpu.memory_space<vmem>>, vector<1x128xf32>
      %get3A_58 = arith.constant 0 : index
      %get3A_59 = arith.constant 0 : index
      %get3A_60 = vector.load %arg6[%get3A_58, %get3A_59] : memref<128x128xf32, #tpu.memory_space<vmem>>, vector<128x128xf32>
      %transpose3A_61 = tpu.transpose %get3A_60, [1, 0] : vector<128x128xf32> -> vector<128x128xf32>
      %dot_general3A_62 = arith.constant dense<0.000000e+00> : vector<1x128xf32>
      %dot_general3A_63 = tpu.matmul %get3A_57, %transpose3A_61, %dot_general3A_62 {dimension_numbers = #tpu.dot_dimension_numbers<[1], [0], [0], [1], [0, 0, 1, 1], [], []>, transpose_lhs_hint = false} : vector<1x128xf32>, vector<128x128xf32>, vector<1x128xf32> -> vector<1x128xf32>
      %get3A_64 = arith.constant 1 : index
      %get3A_65 = arith.constant 0 : index
      %get3A_66 = vector.load %arg9[%get3A_64, %get3A_65] : memref<2x128xf32, #tpu.memory_space<vmem>>, vector<1x1xf32>
      %get3A_67 = vector.extract %get3A_66[0, 0] : f32 from vector<1x1xf32>
      %get3A_68 = arith.constant 0 : index
      %get3A_69 = vector.load %arg7[%get3A_68] : memref<128xf32, #tpu.memory_space<vmem>>, vector<128xf32>
      %mul3A_70 = vector.broadcast %get3A_67 : f32 to vector<128xf32>
      %mul3A_71 = arith.mulf %mul3A_70, %get3A_69 : vector<128xf32>
      %broadcast_in_dim3A_72 = vector.shape_cast %mul3A_71 : vector<128xf32> to vector<1x128xf32>
      %add3A_73 = arith.addf %dot_general3A_63, %broadcast_in_dim3A_72 : vector<1x128xf32>
      %swap3A_74 = arith.constant 0 : index
      %swap3A_75 = arith.constant 0 : index
      %swap3A_76 = vector.load %arg8[%swap3A_74, %swap3A_75] : memref<1x128xf32, #tpu.memory_space<vmem>>, vector<1x128xf32>
      tpu.vector_store %arg8[%swap3A_74, %swap3A_75], %add3A_73 {strides = array<i32>} : memref<1x128xf32, #tpu.memory_space<vmem>>, vector<1x128xf32>,
    } else {
    }
    return
  }
  func.func @transform_0(%arg0: i32) -> (i32, i32) {
    %c0_i32 = arith.constant 0 : i32
    %c0_i32_0 = arith.constant 0 : i32
    return %arg0, %c0_i32 : i32, i32
  }
  func.func @transform_1(%arg0: i32) -> (i32, i32, i32) {
    %c0_i32 = arith.constant 0 : i32
    %c0_i32_0 = arith.constant 0 : i32
    %c0_i32_1 = arith.constant 0 : i32
    return %c0_i32, %arg0, %c0_i32_0 : i32, i32, i32
  }
  func.func @transform_2(%arg0: i32) -> (i32, i32) {
    %c0_i32 = arith.constant 0 : i32
    %c0_i32_0 = arith.constant 0 : i32
    return %arg0, %c0_i32 : i32, i32
  }
  func.func @transform_3(%arg0: i32) -> (i32, i32) {
    %c0_i32 = arith.constant 0 : i32
    %c0_i32_0 = arith.constant 0 : i32
    %c0_i32_1 = arith.constant 0 : i32
    return %c0_i32, %c0_i32_0 : i32, i32
  }
  func.func @transform_4(%arg0: i32) -> i32 {
    %c0_i32 = arith.constant 0 : i32
    %c0_i32_0 = arith.constant 0 : i32
    return %c0_i32 : i32
  }
  func.func @transform_5(%arg0: i32) -> (i32, i32) {
    %c0_i32 = arith.constant 0 : i32
    %c0_i32_0 = arith.constant 0 : i32
    %c0_i32_1 = arith.constant 0 : i32
    return %c0_i32, %c0_i32_0 : i32, i32
  }
  func.func @transform_6(%arg0: i32) -> i32 {
    %c0_i32 = arith.constant 0 : i32
    %c0_i32_0 = arith.constant 0 : i32
    return %c0_i32 : i32
  }
  func.func @transform_7(%arg0: i32) -> (i32, i32) {
    %c0_i32 = arith.constant 0 : i32
    %c0_i32_0 = arith.constant 0 : i32
    %c0_i32_1 = arith.constant 0 : i32
    return %c0_i32, %c0_i32_0 : i32, i32
  }
}

</mosaic_0001>

<sc_bundles>
// kernel: kernel.4.cloned.1.call-start
scs
__scs_entry_jumppad:
0x0: {  	(pc) =	sbr.rel $0x88, $3  }
0x1: {  	(tag) =	ssettag $0x0;
	lr =	simm.s32 $0x1  }
0x2: {  	[smem:$0x3F9A] =	sst lr;
	_ =	strace $0xD0000000  }
0x3: {  	_ = 	snop  }
0x4: {  	_ = 	snop  }
0x5: {  	_ = 	snop  }
0x6: {  	_ = 	snop  }
0x7: {  	_ = 	snop  }
__scs_overlays_trampoline_lowered:
0x8: {  	[smem:$0x3FA9] =	sst s0  }
0x9: {  	[smem:$0x3FAA] =	sst s1  }
0xa: {  	[smem:$0x3FAB] =	sst s2  }
0xb: {  	[smem:$0x3FAC] =	sst s3  }
0xc: {  	[smem:$0x3FAD] =	sst s4  }
0xd: {  	[smem:$0x3FAE] =	sst s5  }
0xe: {  	[smem:$0x3FAF] =	sst s6  }
0xf: {  	[smem:$0x3FB0] =	sst s7  }
0x10: {  	[smem:$0x3FB1] =	sst s8  }
0x11: {  	[smem:$0x3FB2] =	sst s9;
	s0 =	simm.s32 @!p0 $0x0  }
0x12: {  	s1 =	sld [smem:$0x3F98];
	s0 =	simm.s32 @p0 $0x1  }
0x13: {  	[smem:$0x3FB3] =	sst s0;
	s0 =	simm.s32 @!p1 $0x0  }
0x14: {  	s2 =	sld [smem:$0x3F97];
	s0 =	simm.s32 @p1 $0x1  }
0x15: {  	[smem:$0x3FB4] =	sst s0;
	s0 =	simm.s32 @!p2 $0x0  }
0x16: {  	s3 =	sld [smem:$0x3FDB];
	s0 =	simm.s32 @p2 $0x1  }
0x17: {  	s4 =	simm.s32 $0x1BF5;
	[smem:$0x3FB6] =	sst s0  }
0x18: {  	s0 =	sld [smem:$0x3F99];
	_ =	swait.ge [sflag:s4], $0x0  }
0x19: {  	s7 =	sld [smem:$0x3F9A]  }
0x1a: {  	s8 =	sadd.s32 $0xFFFFE003, lr  }
0x1b: {  	s9 =	sadd.s32 $0xFFFFFEF7, lr;
	s5 =	simm.s32 $0xFFFFFFFF;
	p2 =	slt.u32 s8, $0xFFFFF086  }
0x1c: {  	p1 =	slt.u32 s9, $0xF7A;
	s5 =	simm.s32 @!p2 $0x0  }
0x1d: {  	s5 =	simm.s32 @p1 $0x1;
	p0 =	seq.s32 s7, s2  }
0x1e: {  	s7 =	smul.u32 @!p0 $0xF7A, s2;
	p2 =	seq.s32 @!p0 s5, $0x0  }
0x1f: {  	s9 =	smul.u32 $0xF7A, s1;
	s8 =	simm.s32 @!p0 $0x1BF5;
	p2 =	por !p2, p0  }
0x20: {  	[sflag:s8] =	ssyncset.s32 @!p0 $0xFFFFF086;
	s6 =	sadd.s32 @!p0 s3, s7;
	s7 =	simm.s32 @!p0 $0x108  }
0x21: {  	s3 =	sadd.s32 s3, s9;
	s6 =	sadd.s32 @!p0 $0x88, s6;
	s7 =	simm.s32 @p2 $0x1082  }
0x22: {  	[simem:s7], [sflag:s8] =	dma.local @!p0 [hbm:s6], $0xF7A  }
0x23: {  	s9 =	sor.u32 $0xD0000000, s2;
	s6 =	simm.s32 $0x108;
	_ =	swait.ge @!p0 [sflag:s8], $0x0  }
0x24: {  	s3 =	sadd.s32 $0x88, s3;
	s6 =	simm.s32 @!p1 $0x1082;
	[sflag:s4] =	ssyncset.s32 $0xFFFFF086  }
0x25: {  	[simem:s6], [sflag:s4] =	dma.local [hbm:s3], $0xF7A  }
0x26: {  	[smem:$0x3F9A] =	sst s1;
	(tag) =	ssettag s2;
	_ =	strace s9  }
0x27: {  	s1 =	sld [smem:$0x3FAA]  }
0x28: {  	s2 =	sld [smem:$0x3FAB]  }
0x29: {  	s4 =	sld [smem:$0x3FAD]  }
0x2a: {  	p0 =	seq.s32 s5, $0x0;
	s5 =	sld [smem:$0x3FAE]  }
0x2b: {  	s6 =	sld [smem:$0x3FAF]  }
0x2c: {  	s7 =	sld [smem:$0x3FB0]  }
0x2d: {  	s3 =	simm.s32 $0x108;
	s8 =	sld [smem:$0x3FB1]  }
0x2e: {  	s3 =	simm.s32 @!p0 $0x1082;
	s9 =	sld [smem:$0x3FB2]  }
0x2f: {  	lr =	sadd.s32 s0, s3;
	s0 =	sld [smem:$0x3FA9]  }
0x30: {  	s3 =	sld [smem:$0x3FAC]  }
0x31: {  	[smem:$0x3FB5] =	sst s10  }
0x32: {  	s10 =	sld [smem:$0x3FB3];
	_ =	sdelay $0x3  }
0x33: {  	p0 =	seq.s32 s10, $0x1;
	s10 =	sld [smem:$0x3FB5];
	_ =	sdelay $0x3  }
0x34: {  	[smem:$0x3FB5] =	sst s10  }
0x35: {  	s10 =	sld [smem:$0x3FB4];
	_ =	sdelay $0x3  }
0x36: {  	p1 =	seq.s32 s10, $0x1;
	s10 =	sld [smem:$0x3FB5];
	_ =	sdelay $0x3  }
0x37: {  	[smem:$0x3FB5] =	sst s10  }
0x38: {  	s10 =	sld [smem:$0x3FB6]  }
0x39: {  	_ = 	snop;
	(pc) =	sbr.ind lr, $3  }
0x3a: {  	_ = 	snop  }
0x3b: {  	_ = 	snop  }
0x3c: {  	p2 =	seq.s32 s10, $0x1;
	s10 =	sld [smem:$0x3FB5]  }
0x3d: {  	_ =	shalt  }
0x3e: {  	_ =	shalt  }
0x3f: {  	_ =	shalt  }
0x40: {  	_ =	shalt  }
0x41: {  	_ =	shalt  }
0x42: {  	_ =	shalt  }
0x43: {  	_ =	shalt  }
0x44: {  	_ =	shalt  }
0x45: {  	_ =	shalt  }
0x46: {  	_ =	shalt  }
0x47: {  	_ =	shalt  }
0x48: {  	_ =	shalt  }
0x49: {  	_ =	shalt  }
0x4a: {  	_ =	shalt  }
0x4b: {  	_ =	shalt  }
0x4c: {  	_ =	shalt  }
0x4d: {  	_ =	shalt  }
0x4e: {  	_ =	shalt  }
0x4f: {  	_ =	shalt  }
0x50: {  	_ =	shalt  }
0x51: {  	_ =	shalt  }
0x52: {  	_ =	shalt  }
0x53: {  	_ =	shalt  }
0x54: {  	_ =	shalt  }
0x55: {  	_ =	shalt  }
0x56: {  	_ =	shalt  }
0x57: {  	_ =	shalt  }
0x58: {  	_ =	shalt  }
0x59: {  	_ =	shalt  }
0x5a: {  	_ =	shalt  }
0x5b: {  	_ =	shalt  }
0x5c: {  	_ =	shalt  }
0x5d: {  	_ =	shalt  }
0x5e: {  	_ =	shalt  }
0x5f: {  	_ =	shalt  }
0x60: {  	_ =	shalt  }
0x61: {  	_ =	shalt  }
0x62: {  	_ =	shalt  }
0x63: {  	_ =	shalt  }
0x64: {  	_ =	shalt  }
0x65: {  	_ =	shalt  }
0x66: {  	_ =	shalt  }
0x67: {  	_ =	shalt  }
0x68: {  	_ =	shalt  }
0x69: {  	_ =	shalt  }
0x6a: {  	_ =	shalt  }
0x6b: {  	_ =	shalt  }
0x6c: {  	_ =	shalt  }
0x6d: {  	_ =	shalt  }
0x6e: {  	_ =	shalt  }
0x6f: {  	_ =	shalt  }
0x70: {  	_ =	shalt  }
0x71: {  	_ =	shalt  }
0x72: {  	_ =	shalt  }
0x73: {  	_ =	shalt  }
0x74: {  	_ =	shalt  }
0x75: {  	_ =	shalt  }
0x76: {  	_ =	shalt  }
0x77: {  	_ =	shalt  }
0x78: {  	_ =	shalt  }
0x79: {  	_ =	shalt  }
0x7a: {  	_ =	shalt  }
0x7b: {  	_ =	shalt  }
0x7c: {  	_ =	shalt  }
0x7d: {  	_ =	shalt  }
0x7e: {  	_ =	shalt  }
0x7f: {  	_ =	shalt  }
0x80: {  	_ =	shalt  }
0x81: {  	_ =	shalt  }
0x82: {  	_ =	shalt  }
0x83: {  	_ =	shalt  }
0x84: {  	_ =	shalt  }
0x85: {  	_ =	shalt  }
0x86: {  	_ =	shalt  }
0x87: {  	_ =	shalt  }
.Lfunc_end0:
.L_simem_size_0:
called_computation_lowered:
.L_overlay_start_0:
0x88: {  	s2 =	sld [smem:$0x3FD9]  }
0x89: {  	s3 =	sld [smem:$0x3FFE];
	_ =	sdelay $0x1  }
0x8a: {  	s1 =	srdreg.scid  }
0x8b: {  	s0 =	sand.u32 $0x1, s1  }
0x8c: {  	s17 =	sshll.u32 s0, $0xA;
	s2 =	sadd.s32 s3, s2  }
0x8d: {  	s2 =	sadd.s32 s2, s17  }
0x8e: {  	[smem:$0x3FC1] =	sst s2  }
0x8f: {  	_ = 	snop  }
0x90: {  	s2 =	sld [smem:$0x3FC9];
	(tm) =	ssettm $0x1  }
0x91: {  	s18 =	sld [smem:$0x3FFB];
	_ =	sdelay $0x3  }
0x92: {  	_ =	strace s18  }
0x93: {  	s3 =	sld [smem:$0x3FFC];
	_ =	sdelay $0x3  }
0x94: {  	_ =	strace s3  }
0x95: {  	s3 =	sld [smem:$0x3FFD];
	_ =	sdelay $0x3  }
0x96: {  	_ =	strace s3  }
0x97: {  	_ =	strace $0x8FFFFFFF  }
0x98: {  	s19 =	sld [smem:$0x3FDB];
	_ =	sdelay $0x1  }
0x99: {  	s4 =	simm.s32 $_scs_section_size  }
0x9a: {  	s5 =	simm.s32 $_size__tile_overlayer_lowered;
	s6 =	simm.s32 $_tile_overlayer_lowered  }
0x9b: {  	s22 =	simm.s32 $0x1BFF;
	s21 =	sshll.u32 s6, $0x1;
	s3 =	sadd.s32 s4, s19  }
0x9c: {  	s7 =	simm.s32 $0x0;
	s20 =	sshll.u32 s5, $0x1;
	s5 =	sadd.s32 s21, s3  }
0x9d: {  	[timem:s7], [sflag:s22] =	dma.local [hbm:s5], s20  }
0x9e: {  	_ =	swait.ge [sflag:s22], s20  }
0x9f: {  	s4 =	ssub.s32 $0x0, s20;
	[sflag:s22] =	ssyncset.done $0x0  }
0xa0: {  	[sflag:s22] =	ssyncadd.s32 s4;
	_ =	sdelay $0x1  }
0xa1: {  	s23 =	simm.s32 $0x1B8B  }
0xa2: {  	_ =	swait.ge [sflag:s23], $0x1  }
0xa3: {  	[sflag:s23] =	ssyncset.done $0x0  }
0xa4: {  	s25 =	simm.s32 $0x1B8E;
	s24 =	sld [smem:$0x3FFE];
	[sflag:s23] =	ssyncadd.s32 $0xFFFFFFFF  }
0xa5: {  	s26 =	simm.s32 $execute0_lowered;
	[smem:$0x3FD2] =	sst s25  }
0xa6: {  	s5 =	sshll.u32 s26, $0x1;
	_ =	strace $0x80000046;
	[dreg:$0x1] =	wrdreg $0xFFFFFFFF  }
0xa7: {  	s28 =	simm.s32 $_size_execute0_lowered;
	s3 =	sadd.s32 s3, s5;
	[dreg:$0x0] =	wrdreg $0x0  }
0xa8: {  	s5 =	sshll.u32 s28, $0x1;
	[dreg:$0x2] =	wrdreg s3  }
0xa9: {  	[dreg:$0x3] =	wrdreg s5  }
0xaa: {  	[dreg:$0x4] =	wrdreg $0xC0  }
0xab: {  	_ =	task [dreg:s7], $0x5FFFF  }
0xac: {  	[dreg:$0x1] =	wrdreg $0xFFFFFFFF  }
0xad: {  	[dreg:$0x0] =	wrdreg $0x60  }
0xae: {  	[dreg:$0x2] =	wrdreg s2  }
0xaf: {  	[dreg:$0x3] =	wrdreg s24  }
0xb0: {  	[dreg:$0x4] =	wrdreg $0xB5400  }
0xb1: {  	[dreg:$0x5] =	wrdreg $0x9  }
0xb2: {  	_ =	task.clear_ibuf [dreg:s7], $0x6FFFF;
	_ =	strace $0x90000046  }
0xb3: {  	s29 =	simm.s32 $0x9;
	_ =	strace $0x80000048  }
0xb4: {  	_ =	swait.ge [sflag:s29], $0x1  }
0xb5: {  	[sflag:s29] =	ssyncadd.s32 $0xFFFFFFFF  }
0xb6: {  	_ =	strace $0x90000048  }
0xb7: {  	_ =	sfence  }
0xb8: {  	s30 =	sld [smem:$0x0];
	_ =	sdelay $0x2  }
0xb9: {  	s31 =	sshll.u32 s1, $0xD;
	s1 =	sshrl.u32 s1, $0x2  }
0xba: {  	s3 =	sand.u32 $0x4000, s31;
	s1 =	sadd.s32 s1, s30  }
0xbb: {  	s0 =	sor.u32 s3, s0;
	s1 =	sshll.u32 s1, $0x11  }
0xbc: {  	s0 =	sor.u32 s1, s0  }
0xbd: {  	s0 =	sadd.s32 $0x8F2B, s0  }
0xbe: {  	[sflag:s0] =	ssyncadd.remote.s32 $0x1  }
0xbf: {  	_ =	sfence.sel $0xFFFF  }
0xc0: {  	[dreg:$0x0] =	wrdreg $0xFFFFFFFF;
	(pc) =	sbr.abs _section_cstart, $3  }
0xc1: {  	[dreg:$0x1] =	wrdreg $0xFFFFFFFF  }
0xc2: {  	_ =	task.clear_ibuf [dreg:s7], $0x2FFFF;
	_ =	strace $0x9FFFFFFF  }
0xc3: {  	(tm) =	ssettm $0x7FFFFFFF  }
tec
execute0_lowered:
.L_overlay_start_1:
0x0: {  	(tag) =	ssettag $0x1  }
0x1: {  	s1 =	rddreg [dreg:$0x0]  }
0x2: {  	s7 =	rddreg [dreg:$0x1]  }
0x3: {  	s0 =	srdreg.scid;
	s3 =	rddreg [dreg:$0x2]  }
0x4: {  	s4 =	simm.s32 $0x0;
	s16 =	simm.s32 $0x2;
	s17 =	simm.s32 $0x64  }
0x5: {  	s18 =	simm.s32 $0x5140;
	s19 =	simm.s32 $0x68;
	s20 =	simm.s32 $0x8340  }
0x6: {  	s21 =	simm.s32 $0x3;
	s22 =	simm.s32 $0x27D0;
	s23 =	simm.s32 $0x2838  }
0x7: {  	s24 =	simm.s32 $0x5070;
	s26 =	simm.s32 $0x50D8;
	s28 =	simm.s32 $0x0  }
0x8: {  	s6 =	sand.u32 $0x1, s0;
	s0 =	stileid.u32;
	[smem:$0x7FF] =	sst s4  }
0x9: {  	s12 =	sadd.s32 $0x18600, s7;
	s15 =	sadd.s32 $0x124800, s3;
	s9 =	smul.u32 $0x4E000, s0  }
0xa: {  	s2 =	sshll.u32 s6, $0x4;
	s10 =	ssub.s32 $0x2, s6;
	s11 =	smul.u32 $0x138800, s6  }
0xb: {  	s13 =	smul.u32 $0x13800, s0;
	p0 =	seq.s32 s0, $0xF;
	s2 =	sor.u32 s0, s2  }
0xc: {  	s29 =	sshrl.u32 s10, $0x1;
	s5 =	smul.u32 $0x28A0, s2;
	s2 =	rddreg [dreg:$0x3]  }
0xd: {  	_ =	strace $0x80000047;
	s10 =	ssub.s32 s10, s29;
	s9 =	sshrl.u32 s9, $0x2  }
0xe: {  	s30 =	sadd.s32 s13, s11;
	s31 =	sshrl.u32 s11, $0x3;
	s25 =	sadd.s32 s13, s3  }
0xf: {  	s11 =	simm.s32 $0x28A0;
	s13 =	sshll.u32 @!p0 s0, $0x6;
	s14 =	sadd.s32 s9, s3  }
0x10: {  	s9 =	sadd.s32 s12, s31;
	s10 =	smax.u32 s10, $0x1;
	s13 =	sor.u32 @!p0 $0x1C03, s13  }
0x11: {  	s25 =	sshrl.u32 @!p0 s25, $0x3;
	s5 =	sshrl.u32 s5, $0x3;
	s9 =	sadd.s32 $0x24900, s9  }
0x12: {  	s14 =	sshrl.u32 @!p0 s14, $0x3;
	s8 =	sadd.s32 s5, s7;
	s5 =	sadd.s32 $0x15E00, s7  }
0x13: {  	s6 =	sadd.s32 $0x1800, s8;
	s7 =	sadd.s32 $0xBA80, s8;
	s8 =	sshrl.u32 s30, $0x3  }
0x14: {  	s8 =	sadd.s32 s12, s8;
	s12 =	sshrl.u32 @p0 s15, $0x3;
	s15 =	simm.s32 $0x1  }
.LBB2_1:
0x15: {  	[tilespmem:s4], [sflag:$0x1] =	stream.linear.gather [hbm4b:s6+s4], $0x28A0, $0x38;
	[tilespmem:$0x1EDC0] =	vst v63  }
0x16: {  	s29 =	simm.s32 @p0 $0x1FC3  }
0x17: {  	[tilespmem:s11], [sflag:$0x2] =	stream.linear.gather [hbm4b:s7+s4], $0x28A0, $0x38;
	[tilespmem:$0x1EDC0] =	vst v63  }
0x18: {  	[spmem:s12], [sflag:s29] =	dma.local @p0 [hbm:s5], $0x2800  }
0x19: {  	s29 =	simm.s32 @p0 $0x3  }
0x1a: {  	_ =	swait.ge @p0 [sflag:s29], $0x2800  }
0x1b: {  	[sflag:s29] =	ssyncset.done @p0 $0x0  }
0x1c: {  	[sflag:s29] =	ssyncadd.s32 @p0 $0xFFFFD800;
	s29 =	simm.s32 @!p0 $0x3  }
0x1d: {  	[spmem:s14], [sflag:s13] =	dma.local @!p0 [hbm:s5], $0x2700  }
0x1e: {  	_ =	swait.ge @!p0 [sflag:s29], $0x2700  }
0x1f: {  	[sflag:s29] =	ssyncset.done @!p0 $0x0  }
0x20: {  	[sflag:s29] =	ssyncadd.s32 @!p0 $0xFFFFD900  }
0x21: {  	_ =	swait.ge [sflag:s15], $0x28A0  }
0x22: {  	[sflag:s15] =	ssyncset.done $0x0  }
0x23: {  	[sflag:s15] =	ssyncadd.s32 $0xFFFFD760  }
0x24: {  	_ =	swait.ge [sflag:s16], $0x28A0  }
0x25: {  	[sflag:s16] =	ssyncset.done $0x0  }
0x26: {  	[sflag:s16] =	ssyncadd.s32 $0xFFFFD760  }
0x27: {  	[bflag:$0x0] =	sbarrier.arrive $0xFFFF  }
0x28: {  	[tilespmem:s18], [sflag:$0x1] =	stream.indirect.gather [hbm4b:s1+s17], $0x80, s4, s17, $0xb8;
	[tilespmem:$0x1EDC0] =	vst v63  }
0x29: {  	_ = 	snop  }
0x2a: {  	[tilespmem:s20], [sflag:$0x2] =	stream.indirect.gather [hbm4b:s1+s17], $0x80, s19, s17, $0xb8;
	[tilespmem:$0x1EDC0] =	vst v63  }
0x2b: {  	_ =	swait.ge [sflag:s15], $0x3200  }
0x2c: {  	[sflag:s15] =	ssyncset.done $0x0  }
0x2d: {  	s29 =	simm.s32 $0x28A0;
	[sflag:s15] =	ssyncadd.s32 $0xFFFFCE00  }
0x2e: {  	[spmem:s3] =	stream.indirect.scatter.add.f32 [tilespmem:s18], [sflag:$0x3], $0x80, s29, s17, $0xb8;
	[tilespmem:$0x1EDC0] =	vst v63  }
0x2f: {  	_ =	swait.ge [sflag:s21], $0x3200  }
0x30: {  	[sflag:s21] =	ssyncset.done $0x0  }
0x31: {  	s29 =	simm.s32 $0xD0;
	[sflag:s21] =	ssyncadd.s32 $0xFFFFCE00  }
0x32: {  	[tilespmem:s18], [sflag:$0x1] =	stream.indirect.gather [hbm4b:s1+s17], $0x80, s29, s17, $0xb8;
	[tilespmem:$0x1EDC0] =	vst v63  }
0x33: {  	_ =	swait.ge [sflag:s16], $0x3200  }
0x34: {  	[sflag:s16] =	ssyncset.done $0x0  }
0x35: {  	s29 =	simm.s32 $0x2908;
	[sflag:s16] =	ssyncadd.s32 $0xFFFFCE00  }
0x36: {  	[spmem:s3] =	stream.indirect.scatter.add.f32 [tilespmem:s20], [sflag:$0x3], $0x80, s29, s17, $0xb8;
	[tilespmem:$0x1EDC0] =	vst v63  }
0x37: {  	_ =	swait.ge [sflag:s21], $0x3200  }
0x38: {  	[sflag:s21] =	ssyncset.done $0x0  }
0x39: {  	s30 =	simm.s32 $0x138;
	s29 =	simm.s32 $0x820;
	[sflag:s21] =	ssyncadd.s32 $0xFFFFCE00  }
.LBB2_2:
0x3a: {  	[tilespmem:s20], [sflag:$0x2] =	stream.indirect.gather [hbm4b:s1+s17], $0x80, s30, s17, $0xb8;
	[tilespmem:$0x1EDC0] =	vst v63  }
0x3b: {  	s30 =	smov.u32 s29;
	s29 =	sadd.s32 $0x340, s29;
	_ =	swait.ge [sflag:s15], $0x3200  }
0x3c: {  	s30 =	sshra.s32 s30, $0x2;
	p1 =	sne.s32 s29, $0xA0E0;
	[sflag:s15] =	ssyncset.done $0x0  }
0x3d: {  	s31 =	sadd.s32 $0x2768, s30;
	[sflag:s15] =	ssyncadd.s32 $0xFFFFCE00  }
0x3e: {  	[spmem:s3] =	stream.indirect.scatter.add.f32 [tilespmem:s18], [sflag:$0x3], $0x80, s31, s17, $0xb8;
	[tilespmem:$0x1EDC0] =	vst v63  }
0x3f: {  	_ =	swait.ge [sflag:s21], $0x3200  }
0x40: {  	[sflag:s21] =	ssyncset.done $0x0  }
0x41: {  	s31 =	sadd.s32 $0xFFFFFF98, s30;
	[sflag:s21] =	ssyncadd.s32 $0xFFFFCE00  }
0x42: {  	[tilespmem:s18], [sflag:$0x1] =	stream.indirect.gather [hbm4b:s1+s17], $0x80, s31, s17, $0xb8;
	[tilespmem:$0x1EDC0] =	vst v63  }
0x43: {  	_ =	swait.ge [sflag:s16], $0x3200  }
0x44: {  	[sflag:s16] =	ssyncset.done $0x0  }
.Ltmp0:
0x45: {  	s31 =	sadd.s32 $0x27D0, s30;
	[sflag:s16] =	ssyncadd.s32 $0xFFFFCE00;
	(pc) =	sbr.rel @p1 .LBB2_2-.Ltmp0, $4  }
0x46: {  	[spmem:s3] =	stream.indirect.scatter.add.f32 [tilespmem:s20], [sflag:$0x3], $0x80, s31, s17, $0xb8;
	[tilespmem:$0x1EDC0] =	vst v63  }
0x47: {  	_ =	swait.ge [sflag:s21], $0x3200  }
0x48: {  	[sflag:s21] =	ssyncset.done $0x0  }
0x49: {  	[sflag:s21] =	ssyncadd.s32 $0xFFFFCE00  }
0x4a: {  	[tilespmem:s20], [sflag:$0x2] =	stream.indirect.gather [hbm4b:s1+s17], $0x80, s30, s17, $0xb8;
	[tilespmem:$0x1EDC0] =	vst v63  }
0x4b: {  	_ =	swait.ge [sflag:s15], $0x3200  }
0x4c: {  	s29 =	sshra.s32 s29, $0x2;
	[sflag:s15] =	ssyncset.done $0x0  }
0x4d: {  	s31 =	sadd.s32 $0x2768, s29;
	[sflag:s15] =	ssyncadd.s32 $0xFFFFCE00  }
0x4e: {  	[spmem:s3] =	stream.indirect.scatter.add.f32 [tilespmem:s18], [sflag:$0x3], $0x80, s31, s17, $0xb8;
	[tilespmem:$0x1EDC0] =	vst v63  }
0x4f: {  	_ =	swait.ge [sflag:s21], $0x3200  }
0x50: {  	[sflag:s21] =	ssyncset.done $0x0  }
0x51: {  	[sflag:s21] =	ssyncadd.s32 $0xFFFFCE00  }
0x52: {  	[tilespmem:s18], [sflag:$0x1] =	stream.indirect.gather [hbm4b:s1+s17], $0x80, s22, s17, $0xb8;
	[tilespmem:$0x1EDC0] =	vst v63  }
0x53: {  	_ =	swait.ge [sflag:s16], $0x3200  }
0x54: {  	[sflag:s16] =	ssyncset.done $0x0  }
0x55: {  	s29 =	sadd.s32 $0x27D0, s29;
	[sflag:s16] =	ssyncadd.s32 $0xFFFFCE00  }
0x56: {  	[spmem:s3] =	stream.indirect.scatter.add.f32 [tilespmem:s20], [sflag:$0x3], $0x80, s29, s17, $0xb8;
	[tilespmem:$0x1EDC0] =	vst v63  }
0x57: {  	_ =	swait.ge [sflag:s21], $0x3200  }
0x58: {  	[sflag:s21] =	ssyncset.done $0x0  }
0x59: {  	[sflag:s21] =	ssyncadd.s32 $0xFFFFCE00  }
0x5a: {  	[tilespmem:s20], [sflag:$0x2] =	stream.indirect.gather [hbm4b:s1+s17], $0x80, s23, s17, $0xb8;
	[tilespmem:$0x1EDC0] =	vst v63  }
0x5b: {  	_ =	swait.ge [sflag:s15], $0x3200  }
0x5c: {  	[sflag:s15] =	ssyncset.done $0x0  }
0x5d: {  	[sflag:s15] =	ssyncadd.s32 $0xFFFFCE00  }
0x5e: {  	[spmem:s3] =	stream.indirect.scatter.add.f32 [tilespmem:s18], [sflag:$0x3], $0x80, s24, s17, $0xb8;
	[tilespmem:$0x1EDC0] =	vst v63  }
0x5f: {  	_ =	swait.ge [sflag:s21], $0x3200  }
0x60: {  	[sflag:s21] =	ssyncset.done $0x0  }
0x61: {  	[sflag:s21] =	ssyncadd.s32 $0xFFFFCE00  }
0x62: {  	[tilespmem:s18], [sflag:$0x1] =	stream.indirect.gather [hbm4b:s1+s17], $0x80, s23, s17, $0xb8;
	[tilespmem:$0x1EDC0] =	vst v63  }
0x63: {  	_ =	swait.ge [sflag:s16], $0x3200  }
0x64: {  	[sflag:s16] =	ssyncset.done $0x0  }
0x65: {  	[sflag:s16] =	ssyncadd.s32 $0xFFFFCE00  }
0x66: {  	[spmem:s3] =	stream.indirect.scatter.add.f32 [tilespmem:s20], [sflag:$0x3], $0x80, s26, s17, $0xb8;
	[tilespmem:$0x1EDC0] =	vst v63  }
0x67: {  	_ =	swait.ge [sflag:s21], $0x3200  }
0x68: {  	[sflag:s21] =	ssyncset.done $0x0  }
0x69: {  	[sflag:s21] =	ssyncadd.s32 $0xFFFFCE00  }
0x6a: {  	[tilespmem:s20], [sflag:$0x2] =	stream.indirect.gather [hbm4b:s1+s17], $0x80, s23, s17, $0xb8;
	[tilespmem:$0x1EDC0] =	vst v63  }
0x6b: {  	_ =	swait.ge [sflag:s15], $0x3200  }
0x6c: {  	[sflag:s15] =	ssyncset.done $0x0  }
0x6d: {  	[sflag:s15] =	ssyncadd.s32 $0xFFFFCE00  }
0x6e: {  	_ =	swait.ge [sflag:s16], $0x3200  }
0x6f: {  	[sflag:s16] =	ssyncset.done $0x0  }
0x70: {  	[sflag:s16] =	ssyncadd.s32 $0xFFFFCE00  }
0x71: {  	s29 =	simm.s32 @p0 $0x1FC3;
	[bflag:$0x0] =	sbarrier.arrive $0xFFFF  }
0x72: {  	[hbm:s9], [sflag:s29] =	dma.local @p0 [spmem:s12], $0x2800  }
0x73: {  	s29 =	simm.s32 @p0 $0x3  }
0x74: {  	s28 =	sadd.s32 $0x1, s28;
	_ =	swait.ge @p0 [sflag:s29], $0x2800  }
0x75: {  	p1 =	sne.s32 s28, s10;
	[sflag:s29] =	ssyncset.done @p0 $0x0  }
.Ltmp1:
0x76: {  	[sflag:s29] =	ssyncadd.s32 @p0 $0xFFFFD800;
	s29 =	simm.s32 @!p0 $0x3;
	(pc) =	sbr.rel @p1 .LBB2_1-.Ltmp1, $4  }
0x77: {  	[hbm:s8], [sflag:s13] =	dma.local @!p0 [spmem:s25], $0x2700  }
0x78: {  	_ =	swait.ge @!p0 [sflag:s29], $0x2700  }
0x79: {  	[sflag:s29] =	ssyncset.done @!p0 $0x0  }
0x7a: {  	[sflag:s29] =	ssyncadd.s32 @!p0 $0xFFFFD900  }
0x7b: {  	_ =	sfence.sel $0x180000  }
0x7c: {  	[bflag:$0x0] =	sbarrier.arrive $0xFFFF  }
0x7d: {  	p0 =	sne.s32 s0, $0x0;
	_ =	strace $0x90000047  }
0x7e: {  	s0 =	sadd.s32 @!p0 $0x100000, s2;
	[bflag:$0x2] =	sbarrier.arrive $0xFFFF  }
0x7f: {  	[sflag:s0] =	ssyncadd.tile.s32 @!p0 $0x1;
	_ =	shalt  }
.Lfunc_end2:
_tile_overlayer_lowered:
.L_overlay_start_2:
0x80: {  	(tag) =	ssettag $0x2  }
0x81: {  	s0 =	rddreg [dreg:$0x0];
	s2 =	stileid.u32  }
0x82: {  	s1 =	rddreg [dreg:$0x1];
	p0 =	sne.s32 s2, $0x0  }
0x83: {  	s3 =	rddreg [dreg:$0x2];
	[bflag:$0x3] =	sbarrier.arrive $0xFFFF;
	s2 =	simm.s32 @!p0 $0x1C03  }
0x84: {  	[timem:s3], [sflag:s2] =	dma.local @!p0 [hbm:s0], s1  }
0x85: {  	s0 =	simm.s32 @!p0 $0x3  }
0x86: {  	_ =	swait.ge @!p0 [sflag:s0], s1  }
0x87: {  	s1 =	ssub.s32 @!p0 $0x0, s1;
	[sflag:s0] =	ssyncset.done @!p0 $0x0  }
0x88: {  	[sflag:s0] =	ssyncadd.s32 @!p0 s1  }
0x89: {  	[bflag:$0x3] =	sbarrier.arrive $0xFFFF  }
0x8a: {  	_ =	shalt  }

</sc_bundles>
